<compile_context>
chip_gen: v7x
topology: tpu7x:2x2x1
jax: 0.10.2.dev20260603
libtpu: 0.0.44.dev20260713+nightly
codegen_flags: <defaults>
</compile_context>

<pallas_src>
import functools

import jax
import jax.numpy as jnp
from jax import lax
from jax.experimental import pallas as pl
from jax.experimental.pallas import tpu as pltpu
from jax.experimental.pallas import tpu_sc as plsc

N_NODES = 10000
H = 128
R = 8
E = 320000

NC = 2
NS = 16
NW = NC * NS
CHUNK = 128
CHUNKS_PER_W = -(-E // (NW * CHUNK))
CPW0 = 99
CPW1 = 2 * CHUNKS_PER_W - CPW0
E_PAD = NS * (CPW0 + CPW1) * CHUNK
N_ACC = 10112
ROWS_PER_TILE = N_ACC // NS


def _transform_body(h_ref, w_ref, out_ref):
    out_ref[0] = jnp.dot(h_ref[...], w_ref[0],
                         preferred_element_type=jnp.float32)


def _transform(h, rel_weight):
    bn = 2000
    return pl.pallas_call(
        _transform_body,
        grid=(N_NODES // bn, R),
        in_specs=[
            pl.BlockSpec((bn, H), lambda i, r: (i, 0)),
            pl.BlockSpec((1, H, H), lambda i, r: (r, 0, 0)),
        ],
        out_specs=pl.BlockSpec((1, bn, H), lambda i, r: (r, i, 0)),
        out_shape=jax.ShapeDtypeStruct((R, N_NODES, H), jnp.float32),
    )(h, rel_weight)


def _sc_scatter(table, gidx, dstp, zrows):
    mesh = plsc.VectorSubcoreMesh(core_axis_name="c", subcore_axis_name="s")

    @functools.partial(
        pl.kernel,
        mesh=mesh,
        out_type=jax.ShapeDtypeStruct((NC, N_ACC, H), jnp.float32),
        scratch_types=[
            pltpu.VMEM((CHUNK,), jnp.int32),
            pltpu.VMEM((CHUNK,), jnp.int32),
            pltpu.VMEM((CHUNK, H), jnp.float32),
            pltpu.VMEM_SHARED((N_ACC, H), jnp.float32),
            pltpu.SemaphoreType.DMA,
        ],
    )
    def k(table_hbm, gidx_hbm, dst_hbm, z_hbm, out_hbm,
          idx_v, dst_v, rows_v, acc, sem):
        c = lax.axis_index("c")
        s = lax.axis_index("s")
        base = jnp.where(c == 0, s * CPW0, NS * CPW0 + s * CPW1)
        n_my = jnp.where(c == 0, CPW0, CPW1)
        pltpu.sync_copy(z_hbm, acc.at[pl.ds(s * ROWS_PER_TILE, ROWS_PER_TILE)])
        plsc.subcore_barrier()

        def body(j, carry):
            chunk = base + j
            pltpu.sync_copy(gidx_hbm.at[chunk], idx_v)
            pltpu.sync_copy(dst_hbm.at[chunk], dst_v)
            pltpu.async_copy(table_hbm.at[idx_v], rows_v, sem).wait()
            pltpu.sync_copy(rows_v, acc.at[dst_v], add=True)
            return carry

        lax.fori_loop(0, n_my, body, 0)
        plsc.subcore_barrier()
        pltpu.sync_copy(acc.at[pl.ds(s * ROWS_PER_TILE, ROWS_PER_TILE)],
                        out_hbm.at[c, pl.ds(s * ROWS_PER_TILE, ROWS_PER_TILE)])

    return k(table, gidx, dstp, zrows)


def _epilogue_body(p0_ref, p1_ref, h_ref, lw_ref, b_ref, out_ref):
    out_ref[...] = (p0_ref[0] + p1_ref[0] + b_ref[...] +
                    jnp.dot(h_ref[...], lw_ref[...],
                            preferred_element_type=jnp.float32))


def _epilogue(partial, h, loop_weight, bias):
    bn = 2000
    return pl.pallas_call(
        _epilogue_body,
        grid=(N_NODES // bn,),
        in_specs=[
            pl.BlockSpec((1, bn, H), lambda i: (0, i, 0)),
            pl.BlockSpec((1, bn, H), lambda i: (1, i, 0)),
            pl.BlockSpec((bn, H), lambda i: (i, 0)),
            pl.BlockSpec((H, H), lambda i: (0, 0)),
            pl.BlockSpec((1, H), lambda i: (0, 0)),
        ],
        out_specs=pl.BlockSpec((bn, H), lambda i: (i, 0)),
        out_shape=jax.ShapeDtypeStruct((N_NODES, H), jnp.float32),
    )(partial, partial, h, loop_weight, bias.reshape(1, H))


def kernel(node_id, edge_index, edge_type, embedding, rel_weight,
           loop_weight, bias):
    h = jnp.take(embedding, node_id.astype(jnp.int32), axis=0)
    src = edge_index[0].astype(jnp.int32)
    dst = edge_index[1].astype(jnp.int32)
    et = edge_type.astype(jnp.int32)

    pad = E_PAD - E
    gidx = jnp.concatenate(
        [et * N_NODES + src, jnp.zeros((pad,), jnp.int32)]
    ).reshape(NW * CHUNKS_PER_W, CHUNK)
    dstp = jnp.concatenate(
        [dst, jnp.full((pad,), N_NODES, jnp.int32)]
    ).reshape(NW * CHUNKS_PER_W, CHUNK)
    zrows = jnp.zeros((ROWS_PER_TILE, H), jnp.float32)

    transformed = _transform(h, rel_weight).reshape(R * N_NODES, H)
    partial = _sc_scatter(transformed, gidx, dstp, zrows)
    return _epilogue(partial, h, loop_weight, bias)

# --- scband reference (transcript-rebuilt; emitter-appended) ---
"""Pipeline reference for scband-rgcn-53901839565613 (READ-ONLY COPY).

The authoritative reference and input builder live on the scoring server;
editing this copy changes nothing except your own understanding.
"""

import jax, jax.numpy as jnp
import numpy as np

N_NODES = 10000
N_EDGES = 320000
H_DIM = 128
NUM_RELS = 8


def setup_inputs(seed: int = 0) -> dict:
    key = jax.random.key(seed)
    k1, k2, k3, k4, k5, k6 = jax.random.split(key, 6)
    node_id = jnp.arange(N_NODES, dtype=jnp.int64)
    edge_index = jax.random.randint(k1, (2, N_EDGES), 0, N_NODES, dtype=jnp.int64)
    edge_type = jax.random.randint(k2, (N_EDGES,), 0, NUM_RELS, dtype=jnp.int64)
    embedding = jax.random.normal(k3, (N_NODES, H_DIM), dtype=jnp.float32) * 0.02
    rel_weight = jax.random.normal(k4, (NUM_RELS, H_DIM, H_DIM), dtype=jnp.float32) * 0.05
    loop_weight = jax.random.normal(k5, (H_DIM, H_DIM), dtype=jnp.float32) * 0.05
    bias = jax.random.normal(k6, (H_DIM,), dtype=jnp.float32) * 0.02
    return {"node_id": node_id, "edge_index": edge_index, "edge_type": edge_type,
            "embedding": embedding, "rel_weight": rel_weight,
            "loop_weight": loop_weight, "bias": bias}


def reference(node_id, edge_index, edge_type, embedding, rel_weight, loop_weight, bias):
    # EmbeddingLayer: h = embedding(node_id)
    h = jnp.take(embedding, node_id, axis=0)
    src = edge_index[0]
    dst = edge_index[1]
    # RGCNLayer (self_loop=True, bias=True, dropout=0, single hidden layer -> no activation)
    loop_message = h @ loop_weight
    # relational message passing: msg_e = h[src_e] @ W_{etype_e}
    transformed = jnp.einsum('nd,rdo->nro', h, rel_weight)  # [N, R, D]
    msg = transformed[src, edge_type]                        # gather [E, D]
    agg = jax.ops.segment_sum(msg, dst, num_segments=h.shape[0])  # scatter-add
    node_repr = agg + bias + loop_message
    return node_repr

if __name__ == "__main__":
    import jax
    _d = setup_inputs()
    print(jax.jit(kernel)(*tuple(_d.values())))

</pallas_src>

<mosaic_0001>
#map = affine_map<(d0, d1) -> (0, 0)>
#map1 = affine_map<(d0, d1) -> (0, 0, 0)>
module attributes {stable_mosaic.version = 14 : i64} {
  func.func @k(%arg0: i32, %arg1: i32, %arg2: memref<80000x128xf32, #tpu.memory_space<hbm>>, %arg3: memref<2528x128xi32, #tpu.memory_space<hbm>>, %arg4: memref<2528x128xi32, #tpu.memory_space<hbm>>, %arg5: memref<632x128xf32, #tpu.memory_space<hbm>>, %arg6: memref<2x10112x128xf32, #tpu.memory_space<hbm>>, %arg7: memref<128xi32, #tpu.memory_space<vmem>>, %arg8: memref<128xi32, #tpu.memory_space<vmem>>, %arg9: memref<128x128xf32, #tpu.memory_space<vmem>>, %arg10: memref<10112x128xf32, #tpu.memory_space<vmem_shared>>, %arg11: memref<!tpu.dma_semaphore, #tpu.memory_space<semaphore_mem>>) attributes {dimension_semantics = [#tpu.dimension_semantics<core_parallel>, #tpu.dimension_semantics<subcore_parallel>], iteration_bounds = array<i64: 2, 16>, scalar_prefetch = 0 : i64, scratch_operands = 5 : i64, tpu.core_type = #tpu.core_type<sc_vector_subcore>, window_params = [{transform_indices = #map}, {transform_indices = #map}, {transform_indices = #map}, {transform_indices = #map}, {transform_indices = #map1}]} {
    %eq3A = arith.constant 0 : i32
    %eq3A_0 = arith.cmpi eq, %arg0, %eq3A : i32
    %mul3A = arith.constant 99 : i32
    %mul3A_1 = arith.muli %arg1, %mul3A : i32
    %mul3A_2 = arith.constant 59 : i32
    %mul3A_3 = arith.muli %arg1, %mul3A_2 : i32
    %add3A = arith.constant 1584 : i32
    %add3A_4 = arith.addi %add3A, %mul3A_3 : i32
    %select_n3A = arith.select %eq3A_0, %mul3A_1, %add3A_4 : i32
    %eq3A_5 = arith.constant 0 : i32
    %eq3A_6 = arith.cmpi eq, %arg0, %eq3A_5 : i32
    %jit3A = arith.constant 99 : i32
    %jit3A_7 = arith.constant 59 : i32
    %select_n3A_8 = arith.select %eq3A_6, %jit3A, %jit3A_7 : i32
    %mul3A_9 = arith.constant 632 : i32
    %mul3A_10 = arith.muli %arg1, %mul3A_9 : i32
    "tpu.region"() ({
      %run_scoped3A = tpu.sem_alloc : memref<!tpu.dma_semaphore, #tpu.memory_space<semaphore_mem>>
      %dma_start3A = arith.constant 0 : i32
      %dma_start3A_25 = tpu.memref_slice %arg10[%mul3A_10, %dma_start3A] : memref<10112x128xf32, #tpu.memory_space<vmem_shared>> -> memref<632x128xf32, #tpu.memory_space<vmem_shared>>
      tpu.enqueue_dma source(%arg5 : memref<632x128xf32, #tpu.memory_space<hbm>>) target(%dma_start3A_25 : memref<632x128xf32, #tpu.memory_space<vmem_shared>>) target_semaphore(%run_scoped3A : memref<!tpu.dma_semaphore, #tpu.memory_space<semaphore_mem>>)
      %dma_wait3A = arith.constant 0 : i32
      %dma_wait3A_26 = tpu.memref_slice %arg10[%mul3A_10, %dma_wait3A] : memref<10112x128xf32, #tpu.memory_space<vmem_shared>> -> memref<632x128xf32, #tpu.memory_space<vmem_shared>>
      tpu.wait_dma2 semaphore(%run_scoped3A : memref<!tpu.dma_semaphore, #tpu.memory_space<semaphore_mem>>) src(%arg5 : memref<632x128xf32, #tpu.memory_space<hbm>>) dst(%dma_wait3A_26 : memref<632x128xf32, #tpu.memory_space<vmem_shared>>)
      tpu.yield
    }) : () -> ()
    %barrier3A = arith.constant 0 : index
    tpu.barrier barrier_id(%barrier3A)
    %while3A = arith.constant 0 : i32
    %while3A_11 = arith.constant 0 : i32
    %while3A_12 = arith.subi %select_n3A_8, %while3A_11 : i32
    %while3A_13 = arith.addi %while3A_11, %while3A_12 : i32
    %while3A_14 = arith.constant 1 : i32
    %while3A_15 = arith.divsi %while3A_12, %while3A_14 : i32
    %while3A_16 = arith.muli %while3A_15, %while3A_14 : i32
    %while3A_17 = arith.addi %while3A_11, %while3A_16 : i32
    %while3A_18 = arith.constant 1 : i32
    scf.for %while3A_25 = %while3A_11 to %while3A_17 step %while3A_18  : i32 {
      %add3A_26 = arith.addi %select_n3A, %while3A_25 : i32
      "tpu.region"() ({
        %run_scoped3A = tpu.sem_alloc : memref<!tpu.dma_semaphore, #tpu.memory_space<semaphore_mem>>
        %dma_start3A_31 = arith.constant 0 : i32
        %dma_start3A_32 = tpu.memref_slice %arg3[%add3A_26, %dma_start3A_31] : memref<2528x128xi32, #tpu.memory_space<hbm>> -> memref<1x128xi32, #tpu.memory_space<hbm>>
        %dma_start3A_33 = tpu.memref_squeeze %dma_start3A_32 : memref<1x128xi32, #tpu.memory_space<hbm>> -> memref<128xi32, #tpu.memory_space<hbm>>
        %dma_start3A_34 = arith.constant 0 : i32
        %dma_start3A_35 = tpu.memref_slice %arg3[%add3A_26, %dma_start3A_34] : memref<2528x128xi32, #tpu.memory_space<hbm>> -> memref<1x128xi32, #tpu.memory_space<hbm>>
        %dma_start3A_36 = tpu.memref_squeeze %dma_start3A_35 : memref<1x128xi32, #tpu.memory_space<hbm>> -> memref<128xi32, #tpu.memory_space<hbm>>
        tpu.enqueue_dma source(%dma_start3A_36 : memref<128xi32, #tpu.memory_space<hbm>>) target(%arg7 : memref<128xi32, #tpu.memory_space<vmem>>) target_semaphore(%run_scoped3A : memref<!tpu.dma_semaphore, #tpu.memory_space<semaphore_mem>>)
        %dma_wait3A_37 = arith.constant 0 : i32
        %dma_wait3A_38 = tpu.memref_slice %arg3[%add3A_26, %dma_wait3A_37] : memref<2528x128xi32, #tpu.memory_space<hbm>> -> memref<1x128xi32, #tpu.memory_space<hbm>>
        %dma_wait3A_39 = tpu.memref_squeeze %dma_wait3A_38 : memref<1x128xi32, #tpu.memory_space<hbm>> -> memref<128xi32, #tpu.memory_space<hbm>>
        %dma_wait3A_40 = arith.constant 0 : i32
        %dma_wait3A_41 = tpu.memref_slice %arg3[%add3A_26, %dma_wait3A_40] : memref<2528x128xi32, #tpu.memory_space<hbm>> -> memref<1x128xi32, #tpu.memory_space<hbm>>
        %dma_wait3A_42 = tpu.memref_squeeze %dma_wait3A_41 : memref<1x128xi32, #tpu.memory_space<hbm>> -> memref<128xi32, #tpu.memory_space<hbm>>
        tpu.wait_dma2 semaphore(%run_scoped3A : memref<!tpu.dma_semaphore, #tpu.memory_space<semaphore_mem>>) src(%dma_wait3A_42 : memref<128xi32, #tpu.memory_space<hbm>>) dst(%arg7 : memref<128xi32, #tpu.memory_space<vmem>>)
        tpu.yield
      }) : () -> ()
      "tpu.region"() ({
        %run_scoped3A = tpu.sem_alloc : memref<!tpu.dma_semaphore, #tpu.memory_space<semaphore_mem>>
        %dma_start3A_31 = arith.constant 0 : i32
        %dma_start3A_32 = tpu.memref_slice %arg4[%add3A_26, %dma_start3A_31] : memref<2528x128xi32, #tpu.memory_space<hbm>> -> memref<1x128xi32, #tpu.memory_space<hbm>>
        %dma_start3A_33 = tpu.memref_squeeze %dma_start3A_32 : memref<1x128xi32, #tpu.memory_space<hbm>> -> memref<128xi32, #tpu.memory_space<hbm>>
        %dma_start3A_34 = arith.constant 0 : i32
        %dma_start3A_35 = tpu.memref_slice %arg4[%add3A_26, %dma_start3A_34] : memref<2528x128xi32, #tpu.memory_space<hbm>> -> memref<1x128xi32, #tpu.memory_space<hbm>>
        %dma_start3A_36 = tpu.memref_squeeze %dma_start3A_35 : memref<1x128xi32, #tpu.memory_space<hbm>> -> memref<128xi32, #tpu.memory_space<hbm>>
        tpu.enqueue_dma source(%dma_start3A_36 : memref<128xi32, #tpu.memory_space<hbm>>) target(%arg8 : memref<128xi32, #tpu.memory_space<vmem>>) target_semaphore(%run_scoped3A : memref<!tpu.dma_semaphore, #tpu.memory_space<semaphore_mem>>)
        %dma_wait3A_37 = arith.constant 0 : i32
        %dma_wait3A_38 = tpu.memref_slice %arg4[%add3A_26, %dma_wait3A_37] : memref<2528x128xi32, #tpu.memory_space<hbm>> -> memref<1x128xi32, #tpu.memory_space<hbm>>
        %dma_wait3A_39 = tpu.memref_squeeze %dma_wait3A_38 : memref<1x128xi32, #tpu.memory_space<hbm>> -> memref<128xi32, #tpu.memory_space<hbm>>
        %dma_wait3A_40 = arith.constant 0 : i32
        %dma_wait3A_41 = tpu.memref_slice %arg4[%add3A_26, %dma_wait3A_40] : memref<2528x128xi32, #tpu.memory_space<hbm>> -> memref<1x128xi32, #tpu.memory_space<hbm>>
        %dma_wait3A_42 = tpu.memref_squeeze %dma_wait3A_41 : memref<1x128xi32, #tpu.memory_space<hbm>> -> memref<128xi32, #tpu.memory_space<hbm>>
        tpu.wait_dma2 semaphore(%run_scoped3A : memref<!tpu.dma_semaphore, #tpu.memory_space<semaphore_mem>>) src(%dma_wait3A_42 : memref<128xi32, #tpu.memory_space<hbm>>) dst(%arg8 : memref<128xi32, #tpu.memory_space<vmem>>)
        tpu.yield
      }) : () -> ()
      %dma_start3A = arith.constant 0 : i32
      %dma_start3A_27 = arith.constant 0 : i32
      %dma_start3A_28 = tpu.memref_slice %arg2[%dma_start3A, %dma_start3A_27] : memref<80000x128xf32, #tpu.memory_space<hbm>> -> memref<80000x128xf32, #tpu.memory_space<hbm>>
      tpu.enqueue_indirect_dma source(%dma_start3A_28 : memref<80000x128xf32, #tpu.memory_space<hbm>>) target(%arg9 : memref<128x128xf32, #tpu.memory_space<vmem>>) offsets(%arg7 : memref<128xi32, #tpu.memory_space<vmem>>) semaphore(%arg11 : memref<!tpu.dma_semaphore, #tpu.memory_space<semaphore_mem>>)
      %dma_wait3A = arith.constant 0 : i32
      %dma_wait3A_29 = arith.constant 0 : i32
      %dma_wait3A_30 = tpu.memref_slice %arg2[%dma_wait3A, %dma_wait3A_29] : memref<80000x128xf32, #tpu.memory_space<hbm>> -> memref<80000x128xf32, #tpu.memory_space<hbm>>
      tpu.wait_indirect_dma semaphore(%arg11 : memref<!tpu.dma_semaphore, #tpu.memory_space<semaphore_mem>>) src(%dma_wait3A_30 : memref<80000x128xf32, #tpu.memory_space<hbm>>) dst(%arg9 : memref<128x128xf32, #tpu.memory_space<vmem>>)
      "tpu.region"() ({
        %run_scoped3A = tpu.sem_alloc : memref<!tpu.dma_semaphore, #tpu.memory_space<semaphore_mem>>
        %dma_start3A_31 = arith.constant 0 : i32
        %dma_start3A_32 = arith.constant 0 : i32
        %dma_start3A_33 = tpu.memref_slice %arg10[%dma_start3A_31, %dma_start3A_32] : memref<10112x128xf32, #tpu.memory_space<vmem_shared>> -> memref<10112x128xf32, #tpu.memory_space<vmem_shared>>
        tpu.enqueue_indirect_dma source(%arg9 : memref<128x128xf32, #tpu.memory_space<vmem>>) target(%dma_start3A_33 : memref<10112x128xf32, #tpu.memory_space<vmem_shared>>) offsets(%arg8 : memref<128xi32, #tpu.memory_space<vmem>>) semaphore(%run_scoped3A : memref<!tpu.dma_semaphore, #tpu.memory_space<semaphore_mem>>) {add = true}
        %dma_wait3A_34 = arith.constant 0 : i32
        %dma_wait3A_35 = arith.constant 0 : i32
        %dma_wait3A_36 = tpu.memref_slice %arg10[%dma_wait3A_34, %dma_wait3A_35] : memref<10112x128xf32, #tpu.memory_space<vmem_shared>> -> memref<10112x128xf32, #tpu.memory_space<vmem_shared>>
        tpu.wait_indirect_dma semaphore(%run_scoped3A : memref<!tpu.dma_semaphore, #tpu.memory_space<semaphore_mem>>) src(%arg9 : memref<128x128xf32, #tpu.memory_space<vmem>>) dst(%dma_wait3A_36 : memref<10112x128xf32, #tpu.memory_space<vmem_shared>>)
        tpu.yield
      }) : () -> ()
    }
    %while3A_19 = arith.constant 1 : i32
    scf.for %while3A_25 = %while3A_17 to %while3A_13 step %while3A_19  : i32 {
      %add3A_26 = arith.addi %select_n3A, %while3A_25 : i32
      "tpu.region"() ({
        %run_scoped3A = tpu.sem_alloc : memref<!tpu.dma_semaphore, #tpu.memory_space<semaphore_mem>>
        %dma_start3A_31 = arith.constant 0 : i32
        %dma_start3A_32 = tpu.memref_slice %arg3[%add3A_26, %dma_start3A_31] : memref<2528x128xi32, #tpu.memory_space<hbm>> -> memref<1x128xi32, #tpu.memory_space<hbm>>
        %dma_start3A_33 = tpu.memref_squeeze %dma_start3A_32 : memref<1x128xi32, #tpu.memory_space<hbm>> -> memref<128xi32, #tpu.memory_space<hbm>>
        %dma_start3A_34 = arith.constant 0 : i32
        %dma_start3A_35 = tpu.memref_slice %arg3[%add3A_26, %dma_start3A_34] : memref<2528x128xi32, #tpu.memory_space<hbm>> -> memref<1x128xi32, #tpu.memory_space<hbm>>
        %dma_start3A_36 = tpu.memref_squeeze %dma_start3A_35 : memref<1x128xi32, #tpu.memory_space<hbm>> -> memref<128xi32, #tpu.memory_space<hbm>>
        tpu.enqueue_dma source(%dma_start3A_36 : memref<128xi32, #tpu.memory_space<hbm>>) target(%arg7 : memref<128xi32, #tpu.memory_space<vmem>>) target_semaphore(%run_scoped3A : memref<!tpu.dma_semaphore, #tpu.memory_space<semaphore_mem>>)
        %dma_wait3A_37 = arith.constant 0 : i32
        %dma_wait3A_38 = tpu.memref_slice %arg3[%add3A_26, %dma_wait3A_37] : memref<2528x128xi32, #tpu.memory_space<hbm>> -> memref<1x128xi32, #tpu.memory_space<hbm>>
        %dma_wait3A_39 = tpu.memref_squeeze %dma_wait3A_38 : memref<1x128xi32, #tpu.memory_space<hbm>> -> memref<128xi32, #tpu.memory_space<hbm>>
        %dma_wait3A_40 = arith.constant 0 : i32
        %dma_wait3A_41 = tpu.memref_slice %arg3[%add3A_26, %dma_wait3A_40] : memref<2528x128xi32, #tpu.memory_space<hbm>> -> memref<1x128xi32, #tpu.memory_space<hbm>>
        %dma_wait3A_42 = tpu.memref_squeeze %dma_wait3A_41 : memref<1x128xi32, #tpu.memory_space<hbm>> -> memref<128xi32, #tpu.memory_space<hbm>>
        tpu.wait_dma2 semaphore(%run_scoped3A : memref<!tpu.dma_semaphore, #tpu.memory_space<semaphore_mem>>) src(%dma_wait3A_42 : memref<128xi32, #tpu.memory_space<hbm>>) dst(%arg7 : memref<128xi32, #tpu.memory_space<vmem>>)
        tpu.yield
      }) : () -> ()
      "tpu.region"() ({
        %run_scoped3A = tpu.sem_alloc : memref<!tpu.dma_semaphore, #tpu.memory_space<semaphore_mem>>
        %dma_start3A_31 = arith.constant 0 : i32
        %dma_start3A_32 = tpu.memref_slice %arg4[%add3A_26, %dma_start3A_31] : memref<2528x128xi32, #tpu.memory_space<hbm>> -> memref<1x128xi32, #tpu.memory_space<hbm>>
        %dma_start3A_33 = tpu.memref_squeeze %dma_start3A_32 : memref<1x128xi32, #tpu.memory_space<hbm>> -> memref<128xi32, #tpu.memory_space<hbm>>
        %dma_start3A_34 = arith.constant 0 : i32
        %dma_start3A_35 = tpu.memref_slice %arg4[%add3A_26, %dma_start3A_34] : memref<2528x128xi32, #tpu.memory_space<hbm>> -> memref<1x128xi32, #tpu.memory_space<hbm>>
        %dma_start3A_36 = tpu.memref_squeeze %dma_start3A_35 : memref<1x128xi32, #tpu.memory_space<hbm>> -> memref<128xi32, #tpu.memory_space<hbm>>
        tpu.enqueue_dma source(%dma_start3A_36 : memref<128xi32, #tpu.memory_space<hbm>>) target(%arg8 : memref<128xi32, #tpu.memory_space<vmem>>) target_semaphore(%run_scoped3A : memref<!tpu.dma_semaphore, #tpu.memory_space<semaphore_mem>>)
        %dma_wait3A_37 = arith.constant 0 : i32
        %dma_wait3A_38 = tpu.memref_slice %arg4[%add3A_26, %dma_wait3A_37] : memref<2528x128xi32, #tpu.memory_space<hbm>> -> memref<1x128xi32, #tpu.memory_space<hbm>>
        %dma_wait3A_39 = tpu.memref_squeeze %dma_wait3A_38 : memref<1x128xi32, #tpu.memory_space<hbm>> -> memref<128xi32, #tpu.memory_space<hbm>>
        %dma_wait3A_40 = arith.constant 0 : i32
        %dma_wait3A_41 = tpu.memref_slice %arg4[%add3A_26, %dma_wait3A_40] : memref<2528x128xi32, #tpu.memory_space<hbm>> -> memref<1x128xi32, #tpu.memory_space<hbm>>
        %dma_wait3A_42 = tpu.memref_squeeze %dma_wait3A_41 : memref<1x128xi32, #tpu.memory_space<hbm>> -> memref<128xi32, #tpu.memory_space<hbm>>
        tpu.wait_dma2 semaphore(%run_scoped3A : memref<!tpu.dma_semaphore, #tpu.memory_space<semaphore_mem>>) src(%dma_wait3A_42 : memref<128xi32, #tpu.memory_space<hbm>>) dst(%arg8 : memref<128xi32, #tpu.memory_space<vmem>>)
        tpu.yield
      }) : () -> ()
      %dma_start3A = arith.constant 0 : i32
      %dma_start3A_27 = arith.constant 0 : i32
      %dma_start3A_28 = tpu.memref_slice %arg2[%dma_start3A, %dma_start3A_27] : memref<80000x128xf32, #tpu.memory_space<hbm>> -> memref<80000x128xf32, #tpu.memory_space<hbm>>
      tpu.enqueue_indirect_dma source(%dma_start3A_28 : memref<80000x128xf32, #tpu.memory_space<hbm>>) target(%arg9 : memref<128x128xf32, #tpu.memory_space<vmem>>) offsets(%arg7 : memref<128xi32, #tpu.memory_space<vmem>>) semaphore(%arg11 : memref<!tpu.dma_semaphore, #tpu.memory_space<semaphore_mem>>)
      %dma_wait3A = arith.constant 0 : i32
      %dma_wait3A_29 = arith.constant 0 : i32
      %dma_wait3A_30 = tpu.memref_slice %arg2[%dma_wait3A, %dma_wait3A_29] : memref<80000x128xf32, #tpu.memory_space<hbm>> -> memref<80000x128xf32, #tpu.memory_space<hbm>>
      tpu.wait_indirect_dma semaphore(%arg11 : memref<!tpu.dma_semaphore, #tpu.memory_space<semaphore_mem>>) src(%dma_wait3A_30 : memref<80000x128xf32, #tpu.memory_space<hbm>>) dst(%arg9 : memref<128x128xf32, #tpu.memory_space<vmem>>)
      "tpu.region"() ({
        %run_scoped3A = tpu.sem_alloc : memref<!tpu.dma_semaphore, #tpu.memory_space<semaphore_mem>>
        %dma_start3A_31 = arith.constant 0 : i32
        %dma_start3A_32 = arith.constant 0 : i32
        %dma_start3A_33 = tpu.memref_slice %arg10[%dma_start3A_31, %dma_start3A_32] : memref<10112x128xf32, #tpu.memory_space<vmem_shared>> -> memref<10112x128xf32, #tpu.memory_space<vmem_shared>>
        tpu.enqueue_indirect_dma source(%arg9 : memref<128x128xf32, #tpu.memory_space<vmem>>) target(%dma_start3A_33 : memref<10112x128xf32, #tpu.memory_space<vmem_shared>>) offsets(%arg8 : memref<128xi32, #tpu.memory_space<vmem>>) semaphore(%run_scoped3A : memref<!tpu.dma_semaphore, #tpu.memory_space<semaphore_mem>>) {add = true}
        %dma_wait3A_34 = arith.constant 0 : i32
        %dma_wait3A_35 = arith.constant 0 : i32
        %dma_wait3A_36 = tpu.memref_slice %arg10[%dma_wait3A_34, %dma_wait3A_35] : memref<10112x128xf32, #tpu.memory_space<vmem_shared>> -> memref<10112x128xf32, #tpu.memory_space<vmem_shared>>
        tpu.wait_indirect_dma semaphore(%run_scoped3A : memref<!tpu.dma_semaphore, #tpu.memory_space<semaphore_mem>>) src(%arg9 : memref<128x128xf32, #tpu.memory_space<vmem>>) dst(%dma_wait3A_36 : memref<10112x128xf32, #tpu.memory_space<vmem_shared>>)
        tpu.yield
      }) : () -> ()
    }
    %barrier3A_20 = arith.constant 0 : index
    tpu.barrier barrier_id(%barrier3A_20)
    %mul3A_21 = arith.constant 632 : i32
    %mul3A_22 = arith.muli %arg1, %mul3A_21 : i32
    %mul3A_23 = arith.constant 632 : i32
    %mul3A_24 = arith.muli %arg1, %mul3A_23 : i32
    "tpu.region"() ({
      %run_scoped3A = tpu.sem_alloc : memref<!tpu.dma_semaphore, #tpu.memory_space<semaphore_mem>>
      %dma_start3A = arith.constant 0 : i32
      %dma_start3A_25 = tpu.memref_slice %arg6[%arg0, %mul3A_24, %dma_start3A] : memref<2x10112x128xf32, #tpu.memory_space<hbm>> -> memref<1x632x128xf32, #tpu.memory_space<hbm>>
      %dma_start3A_26 = tpu.memref_squeeze %dma_start3A_25 : memref<1x632x128xf32, #tpu.memory_space<hbm>> -> memref<632x128xf32, #tpu.memory_space<hbm>>
      %dma_start3A_27 = arith.constant 0 : i32
      %dma_start3A_28 = tpu.memref_slice %arg10[%mul3A_22, %dma_start3A_27] : memref<10112x128xf32, #tpu.memory_space<vmem_shared>> -> memref<632x128xf32, #tpu.memory_space<vmem_shared>>
      tpu.enqueue_dma source(%dma_start3A_28 : memref<632x128xf32, #tpu.memory_space<vmem_shared>>) target(%dma_start3A_26 : memref<632x128xf32, #tpu.memory_space<hbm>>) target_semaphore(%run_scoped3A : memref<!tpu.dma_semaphore, #tpu.memory_space<semaphore_mem>>)
      %dma_wait3A = arith.constant 0 : i32
      %dma_wait3A_29 = tpu.memref_slice %arg6[%arg0, %mul3A_24, %dma_wait3A] : memref<2x10112x128xf32, #tpu.memory_space<hbm>> -> memref<1x632x128xf32, #tpu.memory_space<hbm>>
      %dma_wait3A_30 = tpu.memref_squeeze %dma_wait3A_29 : memref<1x632x128xf32, #tpu.memory_space<hbm>> -> memref<632x128xf32, #tpu.memory_space<hbm>>
      %dma_wait3A_31 = arith.constant 0 : i32
      %dma_wait3A_32 = tpu.memref_slice %arg10[%mul3A_22, %dma_wait3A_31] : memref<10112x128xf32, #tpu.memory_space<vmem_shared>> -> memref<632x128xf32, #tpu.memory_space<vmem_shared>>
      tpu.wait_dma2 semaphore(%run_scoped3A : memref<!tpu.dma_semaphore, #tpu.memory_space<semaphore_mem>>) src(%dma_wait3A_32 : memref<632x128xf32, #tpu.memory_space<vmem_shared>>) dst(%dma_wait3A_30 : memref<632x128xf32, #tpu.memory_space<hbm>>)
      tpu.yield
    }) : () -> ()
    return
  }
}

module attributes {stable_mosaic.version = 14 : i64} {
  func.func @_transform_body(%arg0: i32, %arg1: i32, %arg2: memref<2000x128xf32, #tpu.memory_space<vmem>>, %arg3: memref<1x128x128xf32, #tpu.memory_space<vmem>>, %arg4: memref<1x2000x128xf32, #tpu.memory_space<vmem>>) attributes {dimension_semantics = [#tpu.dimension_semantics<arbitrary>, #tpu.dimension_semantics<arbitrary>], iteration_bounds = array<i64: 5, 8>, scalar_prefetch = 0 : i64, scratch_operands = 0 : i64, tpu.core_type = #tpu.core_type<tc>, window_params = [{transform_indices = @transform_0, window_bounds = array<i64: 2000, 128>}, {transform_indices = @transform_1, window_bounds = array<i64: 1, 128, 128>}, {transform_indices = @transform_2, window_bounds = array<i64: 1, 2000, 128>}]} {
    %get3A = arith.constant 0 : index
    %get3A_0 = arith.constant 0 : index
    %get3A_1 = vector.load %arg2[%get3A, %get3A_0] : memref<2000x128xf32, #tpu.memory_space<vmem>>, vector<2000x128xf32>
    %get3A_2 = arith.constant 0 : index
    %get3A_3 = arith.constant 0 : index
    %get3A_4 = arith.constant 0 : index
    %get3A_5 = vector.load %arg3[%get3A_2, %get3A_3, %get3A_4] : memref<1x128x128xf32, #tpu.memory_space<vmem>>, vector<1x128x128xf32>
    %get3A_6 = vector.shape_cast %get3A_5 : vector<1x128x128xf32> to vector<128x128xf32>
    %dot_general3A = arith.constant dense<0.000000e+00> : vector<2000x128xf32>
    %dot_general3A_7 = tpu.matmul %get3A_1, %get3A_6, %dot_general3A {dimension_numbers = #tpu.dot_dimension_numbers<[1], [0], [0], [1], [0, 0, 1, 1], [], []>, transpose_lhs_hint = false} : vector<2000x128xf32>, vector<128x128xf32>, vector<2000x128xf32> -> vector<2000x128xf32>
    %swap3A = arith.constant 0 : index
    %swap3A_8 = arith.constant 0 : index
    %swap3A_9 = arith.constant 0 : index
    %swap3A_10 = vector.load %arg4[%swap3A, %swap3A_8, %swap3A_9] : memref<1x2000x128xf32, #tpu.memory_space<vmem>>, vector<1x2000x128xf32>
    %swap3A_11 = vector.shape_cast %swap3A_10 : vector<1x2000x128xf32> to vector<2000x128xf32>
    %swap3A_12 = vector.shape_cast %dot_general3A_7 : vector<2000x128xf32> to vector<1x2000x128xf32>
    tpu.vector_store %arg4[%swap3A, %swap3A_8, %swap3A_9], %swap3A_12 {strides = array<i32>} : memref<1x2000x128xf32, #tpu.memory_space<vmem>>, vector<1x2000x128xf32>,
    return
  }
  func.func @transform_0(%arg0: i32, %arg1: i32) -> (i32, i32) {
    %c0_i32 = arith.constant 0 : i32
    %c0_i32_0 = arith.constant 0 : i32
    return %arg0, %c0_i32 : i32, i32
  }
  func.func @transform_1(%arg0: i32, %arg1: i32) -> (i32, i32, i32) {
    %c0_i32 = arith.constant 0 : i32
    %c0_i32_0 = arith.constant 0 : i32
    %c0_i32_1 = arith.constant 0 : i32
    return %arg1, %c0_i32, %c0_i32_0 : i32, i32, i32
  }
  func.func @transform_2(%arg0: i32, %arg1: i32) -> (i32, i32, i32) {
    %c0_i32 = arith.constant 0 : i32
    %c0_i32_0 = arith.constant 0 : i32
    return %arg1, %arg0, %c0_i32 : i32, i32, i32
  }
}

module attributes {stable_mosaic.version = 14 : i64} {
  func.func @_epilogue_body(%arg0: i32, %arg1: memref<1x2000x128xf32, #tpu.memory_space<vmem>>, %arg2: memref<1x2000x128xf32, #tpu.memory_space<vmem>>, %arg3: memref<2000x128xf32, #tpu.memory_space<vmem>>, %arg4: memref<128x128xf32, #tpu.memory_space<vmem>>, %arg5: memref<1x128xf32, #tpu.memory_space<vmem>>, %arg6: memref<2000x128xf32, #tpu.memory_space<vmem>>) attributes {dimension_semantics = [#tpu.dimension_semantics<arbitrary>], iteration_bounds = array<i64: 5>, scalar_prefetch = 0 : i64, scratch_operands = 0 : i64, tpu.core_type = #tpu.core_type<tc>, window_params = [{transform_indices = @transform_0, window_bounds = array<i64: 1, 2000, 128>}, {transform_indices = @transform_1, window_bounds = array<i64: 1, 2000, 128>}, {transform_indices = @transform_2, window_bounds = array<i64: 2000, 128>}, {pipeline_mode = #tpu.pipeline_mode<synchronous>, transform_indices = @transform_3, window_bounds = array<i64: 128, 128>}, {pipeline_mode = #tpu.pipeline_mode<synchronous>, transform_indices = @transform_4, window_bounds = array<i64: 1, 128>}, {transform_indices = @transform_5, window_bounds = array<i64: 2000, 128>}]} {
    %get3A = arith.constant 0 : index
    %get3A_0 = arith.constant 0 : index
    %get3A_1 = arith.constant 0 : index
    %get3A_2 = vector.load %arg1[%get3A, %get3A_0, %get3A_1] : memref<1x2000x128xf32, #tpu.memory_space<vmem>>, vector<1x2000x128xf32>
    %get3A_3 = vector.shape_cast %get3A_2 : vector<1x2000x128xf32> to vector<2000x128xf32>
    %get3A_4 = arith.constant 0 : index
    %get3A_5 = arith.constant 0 : index
    %get3A_6 = arith.constant 0 : index
    %get3A_7 = vector.load %arg2[%get3A_4, %get3A_5, %get3A_6] : memref<1x2000x128xf32, #tpu.memory_space<vmem>>, vector<1x2000x128xf32>
    %get3A_8 = vector.shape_cast %get3A_7 : vector<1x2000x128xf32> to vector<2000x128xf32>
    %add3A = arith.addf %get3A_3, %get3A_8 : vector<2000x128xf32>
    %get3A_9 = arith.constant 0 : index
    %get3A_10 = arith.constant 0 : index
    %get3A_11 = vector.load %arg5[%get3A_9, %get3A_10] : memref<1x128xf32, #tpu.memory_space<vmem>>, vector<1x128xf32>
    %add3A_12 = vector.broadcast %get3A_11 : vector<1x128xf32> to vector<2000x128xf32>
    %add3A_13 = arith.addf %add3A, %add3A_12 : vector<2000x128xf32>
    %get3A_14 = arith.constant 0 : index
    %get3A_15 = arith.constant 0 : index
    %get3A_16 = vector.load %arg3[%get3A_14, %get3A_15] : memref<2000x128xf32, #tpu.memory_space<vmem>>, vector<2000x128xf32>
    %get3A_17 = arith.constant 0 : index
    %get3A_18 = arith.constant 0 : index
    %get3A_19 = vector.load %arg4[%get3A_17, %get3A_18] : memref<128x128xf32, #tpu.memory_space<vmem>>, vector<128x128xf32>
    %dot_general3A = arith.constant dense<0.000000e+00> : vector<2000x128xf32>
    %dot_general3A_20 = tpu.matmul %get3A_16, %get3A_19, %dot_general3A {dimension_numbers = #tpu.dot_dimension_numbers<[1], [0], [0], [1], [0, 0, 1, 1], [], []>, transpose_lhs_hint = false} : vector<2000x128xf32>, vector<128x128xf32>, vector<2000x128xf32> -> vector<2000x128xf32>
    %add3A_21 = arith.addf %add3A_13, %dot_general3A_20 : vector<2000x128xf32>
    %swap3A = arith.constant 0 : index
    %swap3A_22 = arith.constant 0 : index
    %swap3A_23 = vector.load %arg6[%swap3A, %swap3A_22] : memref<2000x128xf32, #tpu.memory_space<vmem>>, vector<2000x128xf32>
    tpu.vector_store %arg6[%swap3A, %swap3A_22], %add3A_21 {strides = array<i32>} : memref<2000x128xf32, #tpu.memory_space<vmem>>, vector<2000x128xf32>,
    return
  }
  func.func @transform_0(%arg0: i32) -> (i32, i32, i32) {
    %c0_i32 = arith.constant 0 : i32
    %c0_i32_0 = arith.constant 0 : i32
    %c0_i32_1 = arith.constant 0 : i32
    return %c0_i32, %arg0, %c0_i32_0 : i32, i32, i32
  }
  func.func @transform_1(%arg0: i32) -> (i32, i32, i32) {
    %c1_i32 = arith.constant 1 : i32
    %c0_i32 = arith.constant 0 : i32
    %c0_i32_0 = arith.constant 0 : i32
    return %c1_i32, %arg0, %c0_i32 : i32, i32, i32
  }
  func.func @transform_2(%arg0: i32) -> (i32, i32) {
    %c0_i32 = arith.constant 0 : i32
    %c0_i32_0 = arith.constant 0 : i32
    return %arg0, %c0_i32 : i32, i32
  }
  func.func @transform_3(%arg0: i32) -> (i32, i32) {
    %c0_i32 = arith.constant 0 : i32
    %c0_i32_0 = arith.constant 0 : i32
    %c0_i32_1 = arith.constant 0 : i32
    return %c0_i32, %c0_i32_0 : i32, i32
  }
  func.func @transform_4(%arg0: i32) -> (i32, i32) {
    %c0_i32 = arith.constant 0 : i32
    %c0_i32_0 = arith.constant 0 : i32
    %c0_i32_1 = arith.constant 0 : i32
    return %c0_i32, %c0_i32_0 : i32, i32
  }
  func.func @transform_5(%arg0: i32) -> (i32, i32) {
    %c0_i32 = arith.constant 0 : i32
    %c0_i32_0 = arith.constant 0 : i32
    return %arg0, %c0_i32 : i32, i32
  }
}

</mosaic_0001>

<sc_bundles>
// kernel: gather_offload_async_start
scs
__scs_entry_jumppad:
0x0: {  	(pc) =	sbr.rel $0x88, $3  }
0x1: {  	(tag) =	ssettag $0x0;
	lr =	simm.s32 $0x1  }
0x2: {  	[smem:$0x3F9A] =	sst lr;
	_ =	strace $0xD0000000  }
0x3: {  	_ = 	snop  }
0x4: {  	_ = 	snop  }
0x5: {  	_ = 	snop  }
0x6: {  	_ = 	snop  }
0x7: {  	_ = 	snop  }
__scs_overlays_trampoline_lowered:
0x8: {  	[smem:$0x3FA9] =	sst s0  }
0x9: {  	[smem:$0x3FAA] =	sst s1  }
0xa: {  	[smem:$0x3FAB] =	sst s2  }
0xb: {  	[smem:$0x3FAC] =	sst s3  }
0xc: {  	[smem:$0x3FAD] =	sst s4  }
0xd: {  	[smem:$0x3FAE] =	sst s5  }
0xe: {  	[smem:$0x3FAF] =	sst s6  }
0xf: {  	[smem:$0x3FB0] =	sst s7  }
0x10: {  	[smem:$0x3FB1] =	sst s8  }
0x11: {  	[smem:$0x3FB2] =	sst s9;
	s0 =	simm.s32 @!p0 $0x0  }
0x12: {  	s1 =	sld [smem:$0x3F98];
	s0 =	simm.s32 @p0 $0x1  }
0x13: {  	[smem:$0x3FB3] =	sst s0;
	s0 =	simm.s32 @!p1 $0x0  }
0x14: {  	s2 =	sld [smem:$0x3F97];
	s0 =	simm.s32 @p1 $0x1  }
0x15: {  	[smem:$0x3FB4] =	sst s0;
	s0 =	simm.s32 @!p2 $0x0  }
0x16: {  	s3 =	sld [smem:$0x3FDB];
	s0 =	simm.s32 @p2 $0x1  }
0x17: {  	s4 =	simm.s32 $0x1BF5;
	[smem:$0x3FB6] =	sst s0  }
0x18: {  	s0 =	sld [smem:$0x3F99];
	_ =	swait.ge [sflag:s4], $0x0  }
0x19: {  	s7 =	sld [smem:$0x3F9A]  }
0x1a: {  	s8 =	sadd.s32 $0xFFFFE003, lr  }
0x1b: {  	s9 =	sadd.s32 $0xFFFFFEF7, lr;
	s5 =	simm.s32 $0xFFFFFFFF;
	p2 =	slt.u32 s8, $0xFFFFF086  }
0x1c: {  	p1 =	slt.u32 s9, $0xF7A;
	s5 =	simm.s32 @!p2 $0x0  }
0x1d: {  	s5 =	simm.s32 @p1 $0x1;
	p0 =	seq.s32 s7, s2  }
0x1e: {  	s7 =	smul.u32 @!p0 $0xF7A, s2;
	p2 =	seq.s32 @!p0 s5, $0x0  }
0x1f: {  	s9 =	smul.u32 $0xF7A, s1;
	s8 =	simm.s32 @!p0 $0x1BF5;
	p2 =	por !p2, p0  }
0x20: {  	[sflag:s8] =	ssyncset.s32 @!p0 $0xFFFFF086;
	s6 =	sadd.s32 @!p0 s3, s7;
	s7 =	simm.s32 @!p0 $0x108  }
0x21: {  	s3 =	sadd.s32 s3, s9;
	s6 =	sadd.s32 @!p0 $0x88, s6;
	s7 =	simm.s32 @p2 $0x1082  }
0x22: {  	[simem:s7], [sflag:s8] =	dma.local @!p0 [hbm:s6], $0xF7A  }
0x23: {  	s9 =	sor.u32 $0xD0000000, s2;
	s6 =	simm.s32 $0x108;
	_ =	swait.ge @!p0 [sflag:s8], $0x0  }
0x24: {  	s3 =	sadd.s32 $0x88, s3;
	s6 =	simm.s32 @!p1 $0x1082;
	[sflag:s4] =	ssyncset.s32 $0xFFFFF086  }
0x25: {  	[simem:s6], [sflag:s4] =	dma.local [hbm:s3], $0xF7A  }
0x26: {  	[smem:$0x3F9A] =	sst s1;
	(tag) =	ssettag s2;
	_ =	strace s9  }
0x27: {  	s1 =	sld [smem:$0x3FAA]  }
0x28: {  	s2 =	sld [smem:$0x3FAB]  }
0x29: {  	s4 =	sld [smem:$0x3FAD]  }
0x2a: {  	p0 =	seq.s32 s5, $0x0;
	s5 =	sld [smem:$0x3FAE]  }
0x2b: {  	s6 =	sld [smem:$0x3FAF]  }
0x2c: {  	s7 =	sld [smem:$0x3FB0]  }
0x2d: {  	s3 =	simm.s32 $0x108;
	s8 =	sld [smem:$0x3FB1]  }
0x2e: {  	s3 =	simm.s32 @!p0 $0x1082;
	s9 =	sld [smem:$0x3FB2]  }
0x2f: {  	lr =	sadd.s32 s0, s3;
	s0 =	sld [smem:$0x3FA9]  }
0x30: {  	s3 =	sld [smem:$0x3FAC]  }
0x31: {  	[smem:$0x3FB5] =	sst s10  }
0x32: {  	s10 =	sld [smem:$0x3FB3];
	_ =	sdelay $0x3  }
0x33: {  	p0 =	seq.s32 s10, $0x1;
	s10 =	sld [smem:$0x3FB5];
	_ =	sdelay $0x3  }
0x34: {  	[smem:$0x3FB5] =	sst s10  }
0x35: {  	s10 =	sld [smem:$0x3FB4];
	_ =	sdelay $0x3  }
0x36: {  	p1 =	seq.s32 s10, $0x1;
	s10 =	sld [smem:$0x3FB5];
	_ =	sdelay $0x3  }
0x37: {  	[smem:$0x3FB5] =	sst s10  }
0x38: {  	s10 =	sld [smem:$0x3FB6]  }
0x39: {  	_ = 	snop;
	(pc) =	sbr.ind lr, $3  }
0x3a: {  	_ = 	snop  }
0x3b: {  	_ = 	snop  }
0x3c: {  	p2 =	seq.s32 s10, $0x1;
	s10 =	sld [smem:$0x3FB5]  }
0x3d: {  	_ =	shalt  }
0x3e: {  	_ =	shalt  }
0x3f: {  	_ =	shalt  }
0x40: {  	_ =	shalt  }
0x41: {  	_ =	shalt  }
0x42: {  	_ =	shalt  }
0x43: {  	_ =	shalt  }
0x44: {  	_ =	shalt  }
0x45: {  	_ =	shalt  }
0x46: {  	_ =	shalt  }
0x47: {  	_ =	shalt  }
0x48: {  	_ =	shalt  }
0x49: {  	_ =	shalt  }
0x4a: {  	_ =	shalt  }
0x4b: {  	_ =	shalt  }
0x4c: {  	_ =	shalt  }
0x4d: {  	_ =	shalt  }
0x4e: {  	_ =	shalt  }
0x4f: {  	_ =	shalt  }
0x50: {  	_ =	shalt  }
0x51: {  	_ =	shalt  }
0x52: {  	_ =	shalt  }
0x53: {  	_ =	shalt  }
0x54: {  	_ =	shalt  }
0x55: {  	_ =	shalt  }
0x56: {  	_ =	shalt  }
0x57: {  	_ =	shalt  }
0x58: {  	_ =	shalt  }
0x59: {  	_ =	shalt  }
0x5a: {  	_ =	shalt  }
0x5b: {  	_ =	shalt  }
0x5c: {  	_ =	shalt  }
0x5d: {  	_ =	shalt  }
0x5e: {  	_ =	shalt  }
0x5f: {  	_ =	shalt  }
0x60: {  	_ =	shalt  }
0x61: {  	_ =	shalt  }
0x62: {  	_ =	shalt  }
0x63: {  	_ =	shalt  }
0x64: {  	_ =	shalt  }
0x65: {  	_ =	shalt  }
0x66: {  	_ =	shalt  }
0x67: {  	_ =	shalt  }
0x68: {  	_ =	shalt  }
0x69: {  	_ =	shalt  }
0x6a: {  	_ =	shalt  }
0x6b: {  	_ =	shalt  }
0x6c: {  	_ =	shalt  }
0x6d: {  	_ =	shalt  }
0x6e: {  	_ =	shalt  }
0x6f: {  	_ =	shalt  }
0x70: {  	_ =	shalt  }
0x71: {  	_ =	shalt  }
0x72: {  	_ =	shalt  }
0x73: {  	_ =	shalt  }
0x74: {  	_ =	shalt  }
0x75: {  	_ =	shalt  }
0x76: {  	_ =	shalt  }
0x77: {  	_ =	shalt  }
0x78: {  	_ =	shalt  }
0x79: {  	_ =	shalt  }
0x7a: {  	_ =	shalt  }
0x7b: {  	_ =	shalt  }
0x7c: {  	_ =	shalt  }
0x7d: {  	_ =	shalt  }
0x7e: {  	_ =	shalt  }
0x7f: {  	_ =	shalt  }
0x80: {  	_ =	shalt  }
0x81: {  	_ =	shalt  }
0x82: {  	_ =	shalt  }
0x83: {  	_ =	shalt  }
0x84: {  	_ =	shalt  }
0x85: {  	_ =	shalt  }
0x86: {  	_ =	shalt  }
0x87: {  	_ =	shalt  }
.Lfunc_end0:
.L_simem_size_0:
called_computation_lowered:
.L_overlay_start_0:
0x88: {  	s0 =	sld [smem:$0x3FD9]  }
0x89: {  	s1 =	sld [smem:$0x3FFE];
	_ =	sdelay $0x3  }
0x8a: {  	s0 =	sadd.s32 s1, s0  }
0x8b: {  	[smem:$0x3FC1] =	sst s0  }
0x8c: {  	_ = 	snop  }
0x8d: {  	s0 =	sld [smem:$0x3FC6]  }
0x8e: {  	s16 =	sld [smem:$0x3FD0];
	(tm) =	ssettm $0x1  }
0x8f: {  	s2 =	sld [smem:$0x3FFB];
	_ =	sdelay $0x3  }
0x90: {  	_ =	strace s2  }
0x91: {  	s2 =	sld [smem:$0x3FFC];
	_ =	sdelay $0x3  }
0x92: {  	_ =	strace s2  }
0x93: {  	s2 =	sld [smem:$0x3FFD];
	_ =	sdelay $0x3  }
0x94: {  	_ =	strace s2  }
0x95: {  	_ =	strace $0x8FFFFFFF  }
0x96: {  	s17 =	sld [smem:$0x3FDB];
	_ =	sdelay $0x1  }
0x97: {  	s3 =	simm.s32 $_scs_section_size  }
0x98: {  	s4 =	simm.s32 $_size__tile_overlayer_lowered;
	s5 =	simm.s32 $_tile_overlayer_lowered  }
0x99: {  	s20 =	simm.s32 $0x1BFF;
	s19 =	sshll.u32 s5, $0x1;
	s2 =	sadd.s32 s3, s17  }
0x9a: {  	s6 =	simm.s32 $0x0;
	s18 =	sshll.u32 s4, $0x1;
	s4 =	sadd.s32 s19, s2  }
0x9b: {  	[timem:s6], [sflag:s20] =	dma.local [hbm:s4], s18  }
0x9c: {  	_ =	swait.ge [sflag:s20], s18  }
0x9d: {  	s3 =	ssub.s32 $0x0, s18;
	[sflag:s20] =	ssyncset.done $0x0  }
0x9e: {  	[sflag:s20] =	ssyncadd.s32 s3;
	_ =	sdelay $0x1  }
0x9f: {  	s21 =	simm.s32 $0x1B8B  }
0xa0: {  	_ =	swait.ge [sflag:s21], $0x1  }
0xa1: {  	[sflag:s21] =	ssyncset.done $0x0  }
0xa2: {  	s23 =	simm.s32 $0x1B8E;
	s22 =	sld [smem:$0x3FFE];
	[sflag:s21] =	ssyncadd.s32 $0xFFFFFFFF  }
0xa3: {  	s24 =	simm.s32 $execute0_lowered;
	[smem:$0x3FD2] =	sst s23  }
0xa4: {  	s4 =	sshll.u32 s24, $0x1;
	_ =	strace $0x80000046;
	[dreg:$0x1] =	wrdreg $0xFFFFFFFF  }
0xa5: {  	s25 =	simm.s32 $_size_execute0_lowered;
	s2 =	sadd.s32 s2, s4;
	[dreg:$0x0] =	wrdreg $0x0  }
0xa6: {  	s4 =	sshll.u32 s25, $0x1;
	[dreg:$0x2] =	wrdreg s2  }
0xa7: {  	[dreg:$0x3] =	wrdreg s4  }
0xa8: {  	[dreg:$0x4] =	wrdreg $0xC0  }
0xa9: {  	_ =	task [dreg:s6], $0x5FFFF  }
0xaa: {  	[dreg:$0x1] =	wrdreg $0xFFFFFFFF  }
0xab: {  	[dreg:$0x0] =	wrdreg $0x60  }
0xac: {  	[dreg:$0x2] =	wrdreg s0  }
0xad: {  	[dreg:$0x3] =	wrdreg s22  }
0xae: {  	[dreg:$0x4] =	wrdreg s16  }
0xaf: {  	[dreg:$0x5] =	wrdreg $0x9  }
0xb0: {  	_ =	task.clear_ibuf [dreg:s6], $0x6FFFF;
	_ =	strace $0x90000046  }
0xb1: {  	s26 =	simm.s32 $0x9;
	_ =	strace $0x80000048  }
0xb2: {  	_ =	swait.ge [sflag:s26], $0x1  }
0xb3: {  	[sflag:s26] =	ssyncadd.s32 $0xFFFFFFFF  }
0xb4: {  	_ =	strace $0x90000048  }
0xb5: {  	_ =	sfence  }
0xb6: {  	s28 =	sld [smem:$0x0];
	_ =	sdelay $0x1  }
0xb7: {  	s29 =	srdreg.scid  }
0xb8: {  	s30 =	sshll.u32 s29, $0xD;
	s31 =	sshrl.u32 s29, $0x2  }
0xb9: {  	s1 =	sand.u32 $0x1, s29;
	s2 =	sand.u32 $0x4000, s30;
	s0 =	sadd.s32 s31, s28  }
0xba: {  	s1 =	sor.u32 s2, s1;
	s0 =	sshll.u32 s0, $0x11  }
0xbb: {  	s0 =	sor.u32 s0, s1  }
0xbc: {  	s0 =	sadd.s32 $0x8F2B, s0  }
0xbd: {  	[sflag:s0] =	ssyncadd.remote.s32 $0x1  }
0xbe: {  	_ =	sfence.sel $0xFFFF  }
0xbf: {  	[dreg:$0x0] =	wrdreg $0xFFFFFFFF;
	(pc) =	sbr.abs _section_cstart, $3  }
0xc0: {  	[dreg:$0x1] =	wrdreg $0xFFFFFFFF  }
0xc1: {  	_ =	task.clear_ibuf [dreg:s6], $0x2FFFF;
	_ =	strace $0x9FFFFFFF  }
0xc2: {  	(tm) =	ssettm $0x7FFFFFFF  }
0xc3: {  	_ =	shalt  }
tec
execute0_lowered:
.L_overlay_start_1:
0x0: {  	(tag) =	ssettag $0x1  }
0x1: {  	s0 =	stileid.u32  }
0x2: {  	s1 =	smin.u32 s0, $0x9  }
0x3: {  	s1 =	sadd.s32 s0, s1  }
0x4: {  	s2 =	simm.s32 $0x320;
	p0 =	slt.u32 s0, $0x9;
	s1 =	smul.u32 $0x190, s1  }
0x5: {  	s2 =	simm.s32 @!p0 $0x190  }
0x6: {  	s2 =	sadd.s32 s2, s1  }
0x7: {  	s3 =	smin.u32 s2, $0x2710  }
0x8: {  	s7 =	ssub.s32 s3, s1  }
0x9: {  	p0 =	sgt.s32 s7, $0x0  }
0xa: {  	s7 =	simm.s32 @!p0 $0x0  }
0xb: {  	s31 =	sand.u32 $0xFFF0, s7  }
0xc: {  	s4 =	rddreg [dreg:$0x0];
	s2 =	sshrl.u32 s31, $0x4  }
0xd: {  	s9 =	rddreg [dreg:$0x1];
	s2 =	smul.u32 $0xA3E, s2  }
0xe: {  	s5 =	rddreg [dreg:$0x2]  }
0xf: {  	s6 =	simm.s32 $0x1;
	s11 =	simm.s32 $0x3;
	s8 =	sshrl.u32 s2, $0x10  }
0x10: {  	s13 =	simm.s32 $0x0;
	s12 =	simm.s32 $0x0;
	s10 =	smul.u32 $0x190, s8  }
.Ltmp0:
0x11: {  	s9 =	sadd.s32 $0xE00, s9;
	s2 =	rddreg [dreg:$0x3];
	(pc) =	sbr.rel .LBB2_1-.Ltmp0, $4  }
0x12: {  	_ =	strace $0x80000047;
	p0 =	sne.s32 s7, s10;
	s10 =	simm.s32 $0x1  }
0x13: {  	[sflag:s6] =	ssyncpa.u1 $0x0;
	s7 =	simm.s32 $0x2;
	s10 =	simm.s32 @!p0 $0x0  }
0x14: {  	[sflag:s7] =	ssyncpa.u1 $0x0;
	p0 =	por $0x0, $0x0;
	s8 =	sadd.s32 s8, s10  }
0x15: {  	vm0 =	vmmov $0xff;
	vm1 =	vcmask $0x3F20;
	[sflag:s11] =	ssyncpa.u1 $0x0;
	s11 =	smov.u32 s1;
	s10 =	sadd.s32 $0x1, s8  }
.LBB2_6:
0x16: {  	[hbm:s17] =	stream.linear.scatter [tilespmem:s14], [sflag:$0x3], $0x400, $0x38;
	[tilespmem:$0x19320] =	vst v63  }
.LBB2_7:
0x17: {  	s13 =	sadd.s32 $0x190, s11  }
0x18: {  	s15 =	smov.u32 s1;
	p2 =	slt.s32 s13, s3  }
0x19: {  	s15 =	smov.u32 @p2 s13;
	p2 =	sne.s32 s12, s10  }
.Ltmp1:
0x1a: {  	p1 =	slt.u32 s12, $0x2;
	(pc) =	sbr.rel @!p2 .LBB2_8-.Ltmp1, $4  }
0x1b: {  	s14 =	simm.s32 @!p1 $0x3  }
0x1c: {  	s16 =	sadd.s32 $0x1, s12;
	_ =	swait.ge @!p1 [sflag:s14], $0xC800  }
0x1d: {  	p0 =	por !p0, !p0;
	s13 =	smov.u32 s11;
	[sflag:s14] =	ssyncset.done @!p1 $0x0  }
0x1e: {  	s12 =	smov.u32 s16;
	s11 =	smov.u32 s15;
	[sflag:s14] =	ssyncadd.s32 @!p1 $0xFFFF3800  }
.LBB2_1:
0x1f: {  	p1 =	sge.u32 s12, s8  }
0x20: {  	s14 =	sxor.u32 @!p1 $0xFFFFFFFF, s12  }
0x21: {  	s14 =	sand.u32 @!p1 $0x1, s14  }
0x22: {  	s14 =	smul.u32 @!p1 $0x640, s14  }
0x23: {  	s31 =	sadd.s32 $0xFFFFFFFF, s12;
	s15 =	sshrl.u32 @!p1 s11, $0x3  }
0x24: {  	s16 =	sand.u32 @!p1 $0x7, s11;
	s15 =	sadd.s32 @!p1 s9, s15;
	s14 =	sshrl.u32 @!p1 s14, $0x2  }
0x25: {  	[tilespmem:s14], [sflag:$0x2] =	stream.linear.gather @!p1 [hbm4b:s15+s16], $0x190, $0x38;
	[tilespmem:$0x19320] =	vst v63  }
0x26: {  	p1 =	sge.u32 s31, s8  }
.Ltmp2:
0x27: {  	_ = 	snop;
	(pc) =	sbr.rel @p1 .LBB2_7-.Ltmp2, $1  }
0x28: {  	_ =	sdelay $0x3  }
0x29: {  	s14 =	simm.s32 $0x1  }
0x2a: {  	s14 =	simm.s32 @!p0 $0x0  }
0x2b: {  	s15 =	smul.u32 $0x640, s14  }
0x2c: {  	_ =	swait.ge [sflag:s7], $0x190  }
0x2d: {  	[sflag:s7] =	ssyncset.done $0x0;
	s16 =	sshrl.u32 s15, $0x2  }
0x2e: {  	[sflag:s7] =	ssyncadd.s32 $0xFFFFFE70;
	s15 =	sadd.s32 $0x0, s16  }
0x2f: {  	v0 =	vld.msk [tilespmem:s15+$0x0 ss:$0x1], $0xffff;
	_ =	sdelay $0x4  }
0x30: {  	vm2 =	vgt.s32 v0, $0x0  }
0x31: {  	v0 =	vnsel vm2, $0x0, v0  }
0x32: {  	v0 =	vmin.u32 v0, $0x270F  }
0x33: {  	v0 =	vshll.u32 v0, $0x4  }
0x34: {  	s14 =	smul.u32 $0x32000, s14;
	_ =	sdelay $0x1  }
0x35: {  	s14 =	sshrl.u32 s14, $0x2  }
0x36: {  	s14 =	sor.u32 $0x320, s14  }
0x37: {  	[tilespmem:s14], [sflag:$0x1] =	stream.indirect_vreg.gather [hbm:s4], $0x80, v0, vm0, $0x38;
	[tilespmem:$0x19320] =	vst v63  }
0x38: {  	s17 =	sadd.s32 $0x10, s16;
	s15 =	sadd.s32 $0x400, s14  }
0x39: {  	[tilespmem:s15], [sflag:$0x1] =	stream.indirect_vreg.gather [hbm:s4], $0x80, v0, vm1, $0x38;
	[tilespmem:$0x19320] =	vst v63  }
0x3a: {  	s18 =	simm.s32 $0x80;
	v0 =	vld.msk [tilespmem:s17+$0x0 ss:$0x1], $0xffff;
	s17 =	smov.u32 s14  }
.LBB2_3:
0x3b: {  	p1 =	sne.s32 s18, $0x600;
	_ =	sdelay $0x4  }
0x3c: {  	vm2 =	vgt.s32 v0, $0x0  }
0x3d: {  	v0 =	vnsel vm2, $0x0, v0  }
0x3e: {  	v0 =	vmin.u32 v0, $0x270F  }
0x3f: {  	v0 =	vshll.u32 v0, $0x4;
	_ =	sdelay $0x3  }
.Ltmp3:
0x40: {  	s19 =	sshra.s32 s18, $0x2;
	s17 =	sadd.s32 $0x800, s17;
	(pc) =	sbr.rel @p1 .LBB2_3-.Ltmp3, $4  }
0x41: {  	[tilespmem:s17], [sflag:$0x1] =	stream.indirect_vreg.gather [hbm:s4], $0x80, v0, vm0, $0x38;
	[tilespmem:$0x19320] =	vst v63  }
0x42: {  	s19 =	sadd.s32 s19, s16;
	s20 =	sadd.s32 $0x400, s17  }
0x43: {  	[tilespmem:s20], [sflag:$0x1] =	stream.indirect_vreg.gather [hbm:s4], $0x80, v0, vm1, $0x38;
	[tilespmem:$0x19320] =	vst v63  }
0x44: {  	s18 =	sadd.s32 $0x40, s18;
	v0 =	vld.msk [tilespmem:s19+$0x0 ss:$0x1], $0xffff  }
0x45: {  	_ =	sdelay $0x3  }
0x46: {  	vm2 =	vgt.s32 v0, $0x0  }
0x47: {  	v0 =	vnsel vm2, $0x0, v0  }
0x48: {  	v0 =	vmin.u32 v0, $0x270F  }
0x49: {  	v0 =	vshll.u32 v0, $0x4;
	_ =	sdelay $0x3  }
0x4a: {  	s16 =	sadd.s32 $0x800, s17  }
0x4b: {  	[tilespmem:s16], [sflag:$0x1] =	stream.indirect_vreg.gather [hbm:s4], $0x80, v0, vm0, $0x38;
	[tilespmem:$0x19320] =	vst v63  }
0x4c: {  	s16 =	sadd.s32 $0x400, s16  }
0x4d: {  	[tilespmem:s16], [sflag:$0x1] =	stream.indirect_vreg.gather [hbm:s4], $0x80, v0, vm1, $0x38;
	[tilespmem:$0x19320] =	vst v63  }
0x4e: {  	s13 =	sshll.u32 s13, $0x4;
	_ =	swait.ge [sflag:s6], $0xC800  }
0x4f: {  	s13 =	sadd.s32 s13, s5;
	[sflag:s6] =	ssyncset.done $0x0  }
0x50: {  	s17 =	sadd.s32 $0x0, s13;
	s16 =	simm.s32 $0x80;
	[sflag:s6] =	ssyncadd.s32 $0xFFFF3800  }
.LBB2_5:
0x51: {  	[hbm:s17] =	stream.linear.scatter [tilespmem:s14], [sflag:$0x3], $0x400, $0x38;
	[tilespmem:$0x19320] =	vst v63  }
0x52: {  	s17 =	smov.u32 s16;
	s14 =	smov.u32 s15;
	p1 =	sne.s32 s16, $0x1880  }
.Ltmp4:
0x53: {  	s16 =	sadd.s32 $0x80, s16;
	(pc) =	sbr.rel @p1 .LBB2_5-.Ltmp4, $2  }
0x54: {  	_ =	sdelay $0x2  }
0x55: {  	s15 =	sadd.s32 $0x400, s15;
	s17 =	sadd.s32 s17, s13  }
.Ltmp5:
0x56: {  	_ = 	snop;
	(pc) =	sbr.rel .LBB2_6-.Ltmp5, $1  }
0x57: {  	_ =	sdelay $0x3  }
.LBB2_8:
0x58: {  	_ =	sfence.sel $0x180000  }
0x59: {  	s1 =	simm.s32 $0x2;
	[bflag:$0x0] =	sbarrier.arrive $0xFFFF  }
0x5a: {  	s30 =	simm.s32 $0x3;
	[sflag:s1] =	ssyncpa.u1 $0x1  }
0x5b: {  	s31 =	simm.s32 $0x1;
	[sflag:s30] =	ssyncpa.u1 $0x1  }
0x5c: {  	[sflag:s31] =	ssyncpa.u1 $0x1  }
0x5d: {  	p0 =	sne.s32 s0, $0x0;
	_ =	strace $0x90000047  }
0x5e: {  	s0 =	sadd.s32 @!p0 $0x100000, s2;
	[bflag:$0x2] =	sbarrier.arrive $0xFFFF  }
0x5f: {  	[sflag:s0] =	ssyncadd.tile.s32 @!p0 $0x1;
	_ =	shalt  }
.Lfunc_end2:
_tile_overlayer_lowered:
.L_overlay_start_2:
0x60: {  	(tag) =	ssettag $0x2  }
0x61: {  	s0 =	rddreg [dreg:$0x0];
	s2 =	stileid.u32  }
0x62: {  	s1 =	rddreg [dreg:$0x1];
	p0 =	sne.s32 s2, $0x0  }
0x63: {  	s3 =	rddreg [dreg:$0x2];
	[bflag:$0x3] =	sbarrier.arrive $0xFFFF;
	s2 =	simm.s32 @!p0 $0x1C01  }
0x64: {  	[timem:s3], [sflag:s2] =	dma.local @!p0 [hbm:s0], s1  }
0x65: {  	s0 =	simm.s32 @!p0 $0x1  }
0x66: {  	_ =	swait.ge @!p0 [sflag:s0], s1  }
0x67: {  	s1 =	ssub.s32 @!p0 $0x0, s1;
	[sflag:s0] =	ssyncset.done @!p0 $0x0  }
0x68: {  	[sflag:s0] =	ssyncadd.s32 @!p0 s1  }
0x69: {  	[bflag:$0x3] =	sbarrier.arrive $0xFFFF  }
0x6a: {  	_ =	shalt  }

// kernel: kernel.5.cloned.1.call-start
scs
__scs_entry_jumppad:
0x0: {  	(pc) =	sbr.rel $0x88, $3  }
0x1: {  	(tag) =	ssettag $0x0;
	lr =	simm.s32 $0x1  }
0x2: {  	[smem:$0x3F9A] =	sst lr;
	_ =	strace $0xD0000000  }
0x3: {  	_ = 	snop  }
0x4: {  	_ = 	snop  }
0x5: {  	_ = 	snop  }
0x6: {  	_ = 	snop  }
0x7: {  	_ = 	snop  }
__scs_overlays_trampoline_lowered:
0x8: {  	[smem:$0x3FA9] =	sst s0  }
0x9: {  	[smem:$0x3FAA] =	sst s1  }
0xa: {  	[smem:$0x3FAB] =	sst s2  }
0xb: {  	[smem:$0x3FAC] =	sst s3  }
0xc: {  	[smem:$0x3FAD] =	sst s4  }
0xd: {  	[smem:$0x3FAE] =	sst s5  }
0xe: {  	[smem:$0x3FAF] =	sst s6  }
0xf: {  	[smem:$0x3FB0] =	sst s7  }
0x10: {  	[smem:$0x3FB1] =	sst s8  }
0x11: {  	[smem:$0x3FB2] =	sst s9;
	s0 =	simm.s32 @!p0 $0x0  }
0x12: {  	s1 =	sld [smem:$0x3F98];
	s0 =	simm.s32 @p0 $0x1  }
0x13: {  	[smem:$0x3FB3] =	sst s0;
	s0 =	simm.s32 @!p1 $0x0  }
0x14: {  	s2 =	sld [smem:$0x3F97];
	s0 =	simm.s32 @p1 $0x1  }
0x15: {  	[smem:$0x3FB4] =	sst s0;
	s0 =	simm.s32 @!p2 $0x0  }
0x16: {  	s3 =	sld [smem:$0x3FDB];
	s0 =	simm.s32 @p2 $0x1  }
0x17: {  	s4 =	simm.s32 $0x1BF5;
	[smem:$0x3FB6] =	sst s0  }
0x18: {  	s0 =	sld [smem:$0x3F99];
	_ =	swait.ge [sflag:s4], $0x0  }
0x19: {  	s7 =	sld [smem:$0x3F9A]  }
0x1a: {  	s8 =	sadd.s32 $0xFFFFE003, lr  }
0x1b: {  	s9 =	sadd.s32 $0xFFFFFEF7, lr;
	s5 =	simm.s32 $0xFFFFFFFF;
	p2 =	slt.u32 s8, $0xFFFFF086  }
0x1c: {  	p1 =	slt.u32 s9, $0xF7A;
	s5 =	simm.s32 @!p2 $0x0  }
0x1d: {  	s5 =	simm.s32 @p1 $0x1;
	p0 =	seq.s32 s7, s2  }
0x1e: {  	s7 =	smul.u32 @!p0 $0xF7A, s2;
	p2 =	seq.s32 @!p0 s5, $0x0  }
0x1f: {  	s9 =	smul.u32 $0xF7A, s1;
	s8 =	simm.s32 @!p0 $0x1BF5;
	p2 =	por !p2, p0  }
0x20: {  	[sflag:s8] =	ssyncset.s32 @!p0 $0xFFFFF086;
	s6 =	sadd.s32 @!p0 s3, s7;
	s7 =	simm.s32 @!p0 $0x108  }
0x21: {  	s3 =	sadd.s32 s3, s9;
	s6 =	sadd.s32 @!p0 $0x88, s6;
	s7 =	simm.s32 @p2 $0x1082  }
0x22: {  	[simem:s7], [sflag:s8] =	dma.local @!p0 [hbm:s6], $0xF7A  }
0x23: {  	s9 =	sor.u32 $0xD0000000, s2;
	s6 =	simm.s32 $0x108;
	_ =	swait.ge @!p0 [sflag:s8], $0x0  }
0x24: {  	s3 =	sadd.s32 $0x88, s3;
	s6 =	simm.s32 @!p1 $0x1082;
	[sflag:s4] =	ssyncset.s32 $0xFFFFF086  }
0x25: {  	[simem:s6], [sflag:s4] =	dma.local [hbm:s3], $0xF7A  }
0x26: {  	[smem:$0x3F9A] =	sst s1;
	(tag) =	ssettag s2;
	_ =	strace s9  }
0x27: {  	s1 =	sld [smem:$0x3FAA]  }
0x28: {  	s2 =	sld [smem:$0x3FAB]  }
0x29: {  	s4 =	sld [smem:$0x3FAD]  }
0x2a: {  	p0 =	seq.s32 s5, $0x0;
	s5 =	sld [smem:$0x3FAE]  }
0x2b: {  	s6 =	sld [smem:$0x3FAF]  }
0x2c: {  	s7 =	sld [smem:$0x3FB0]  }
0x2d: {  	s3 =	simm.s32 $0x108;
	s8 =	sld [smem:$0x3FB1]  }
0x2e: {  	s3 =	simm.s32 @!p0 $0x1082;
	s9 =	sld [smem:$0x3FB2]  }
0x2f: {  	lr =	sadd.s32 s0, s3;
	s0 =	sld [smem:$0x3FA9]  }
0x30: {  	s3 =	sld [smem:$0x3FAC]  }
0x31: {  	[smem:$0x3FB5] =	sst s10  }
0x32: {  	s10 =	sld [smem:$0x3FB3];
	_ =	sdelay $0x3  }
0x33: {  	p0 =	seq.s32 s10, $0x1;
	s10 =	sld [smem:$0x3FB5];
	_ =	sdelay $0x3  }
0x34: {  	[smem:$0x3FB5] =	sst s10  }
0x35: {  	s10 =	sld [smem:$0x3FB4];
	_ =	sdelay $0x3  }
0x36: {  	p1 =	seq.s32 s10, $0x1;
	s10 =	sld [smem:$0x3FB5];
	_ =	sdelay $0x3  }
0x37: {  	[smem:$0x3FB5] =	sst s10  }
0x38: {  	s10 =	sld [smem:$0x3FB6]  }
0x39: {  	_ = 	snop;
	(pc) =	sbr.ind lr, $3  }
0x3a: {  	_ = 	snop  }
0x3b: {  	_ = 	snop  }
0x3c: {  	p2 =	seq.s32 s10, $0x1;
	s10 =	sld [smem:$0x3FB5]  }
0x3d: {  	_ =	shalt  }
0x3e: {  	_ =	shalt  }
0x3f: {  	_ =	shalt  }
0x40: {  	_ =	shalt  }
0x41: {  	_ =	shalt  }
0x42: {  	_ =	shalt  }
0x43: {  	_ =	shalt  }
0x44: {  	_ =	shalt  }
0x45: {  	_ =	shalt  }
0x46: {  	_ =	shalt  }
0x47: {  	_ =	shalt  }
0x48: {  	_ =	shalt  }
0x49: {  	_ =	shalt  }
0x4a: {  	_ =	shalt  }
0x4b: {  	_ =	shalt  }
0x4c: {  	_ =	shalt  }
0x4d: {  	_ =	shalt  }
0x4e: {  	_ =	shalt  }
0x4f: {  	_ =	shalt  }
0x50: {  	_ =	shalt  }
0x51: {  	_ =	shalt  }
0x52: {  	_ =	shalt  }
0x53: {  	_ =	shalt  }
0x54: {  	_ =	shalt  }
0x55: {  	_ =	shalt  }
0x56: {  	_ =	shalt  }
0x57: {  	_ =	shalt  }
0x58: {  	_ =	shalt  }
0x59: {  	_ =	shalt  }
0x5a: {  	_ =	shalt  }
0x5b: {  	_ =	shalt  }
0x5c: {  	_ =	shalt  }
0x5d: {  	_ =	shalt  }
0x5e: {  	_ =	shalt  }
0x5f: {  	_ =	shalt  }
0x60: {  	_ =	shalt  }
0x61: {  	_ =	shalt  }
0x62: {  	_ =	shalt  }
0x63: {  	_ =	shalt  }
0x64: {  	_ =	shalt  }
0x65: {  	_ =	shalt  }
0x66: {  	_ =	shalt  }
0x67: {  	_ =	shalt  }
0x68: {  	_ =	shalt  }
0x69: {  	_ =	shalt  }
0x6a: {  	_ =	shalt  }
0x6b: {  	_ =	shalt  }
0x6c: {  	_ =	shalt  }
0x6d: {  	_ =	shalt  }
0x6e: {  	_ =	shalt  }
0x6f: {  	_ =	shalt  }
0x70: {  	_ =	shalt  }
0x71: {  	_ =	shalt  }
0x72: {  	_ =	shalt  }
0x73: {  	_ =	shalt  }
0x74: {  	_ =	shalt  }
0x75: {  	_ =	shalt  }
0x76: {  	_ =	shalt  }
0x77: {  	_ =	shalt  }
0x78: {  	_ =	shalt  }
0x79: {  	_ =	shalt  }
0x7a: {  	_ =	shalt  }
0x7b: {  	_ =	shalt  }
0x7c: {  	_ =	shalt  }
0x7d: {  	_ =	shalt  }
0x7e: {  	_ =	shalt  }
0x7f: {  	_ =	shalt  }
0x80: {  	_ =	shalt  }
0x81: {  	_ =	shalt  }
0x82: {  	_ =	shalt  }
0x83: {  	_ =	shalt  }
0x84: {  	_ =	shalt  }
0x85: {  	_ =	shalt  }
0x86: {  	_ =	shalt  }
0x87: {  	_ =	shalt  }
.Lfunc_end0:
.L_simem_size_0:
called_computation.1_lowered:
.L_overlay_start_0:
0x88: {  	s2 =	sld [smem:$0x3FD9]  }
0x89: {  	s3 =	sld [smem:$0x3FFE];
	_ =	sdelay $0x1  }
0x8a: {  	s1 =	srdreg.scid  }
0x8b: {  	s0 =	sand.u32 $0x1, s1  }
0x8c: {  	s17 =	sshll.u32 s0, $0xA;
	s2 =	sadd.s32 s3, s2  }
0x8d: {  	s2 =	sadd.s32 s2, s17  }
0x8e: {  	[smem:$0x3FC1] =	sst s2  }
0x8f: {  	_ = 	snop  }
0x90: {  	s2 =	sld [smem:$0x3FD0];
	(tm) =	ssettm $0x1  }
0x91: {  	s18 =	sld [smem:$0x3FFB];
	_ =	sdelay $0x3  }
0x92: {  	_ =	strace s18  }
0x93: {  	s3 =	sld [smem:$0x3FFC];
	_ =	sdelay $0x3  }
0x94: {  	_ =	strace s3  }
0x95: {  	s3 =	sld [smem:$0x3FFD];
	_ =	sdelay $0x3  }
0x96: {  	_ =	strace s3  }
0x97: {  	_ =	strace $0x8FFFFFFF  }
0x98: {  	s19 =	sld [smem:$0x3FDB];
	_ =	sdelay $0x1  }
0x99: {  	s4 =	simm.s32 $_scs_section_size  }
0x9a: {  	s5 =	simm.s32 $_size__tile_overlayer_lowered;
	s6 =	simm.s32 $_tile_overlayer_lowered  }
0x9b: {  	s22 =	simm.s32 $0x1BFF;
	s21 =	sshll.u32 s6, $0x1;
	s3 =	sadd.s32 s4, s19  }
0x9c: {  	s7 =	simm.s32 $0x0;
	s20 =	sshll.u32 s5, $0x1;
	s5 =	sadd.s32 s21, s3  }
0x9d: {  	[timem:s7], [sflag:s22] =	dma.local [hbm:s5], s20  }
0x9e: {  	_ =	swait.ge [sflag:s22], s20  }
0x9f: {  	s4 =	ssub.s32 $0x0, s20;
	[sflag:s22] =	ssyncset.done $0x0  }
0xa0: {  	[sflag:s22] =	ssyncadd.s32 s4;
	_ =	sdelay $0x1  }
0xa1: {  	s23 =	simm.s32 $0x1B8B  }
0xa2: {  	_ =	swait.ge [sflag:s23], $0x1  }
0xa3: {  	[sflag:s23] =	ssyncset.done $0x0  }
0xa4: {  	s25 =	simm.s32 $0x1B8E;
	s24 =	sld [smem:$0x3FFE];
	[sflag:s23] =	ssyncadd.s32 $0xFFFFFFFF  }
0xa5: {  	s26 =	simm.s32 $execute0_lowered;
	[smem:$0x3FD2] =	sst s25  }
0xa6: {  	s5 =	sshll.u32 s26, $0x1;
	_ =	strace $0x80000049;
	[dreg:$0x1] =	wrdreg $0xFFFFFFFF  }
0xa7: {  	s28 =	simm.s32 $_size_execute0_lowered;
	s3 =	sadd.s32 s3, s5;
	[dreg:$0x0] =	wrdreg $0x0  }
0xa8: {  	s5 =	sshll.u32 s28, $0x1;
	[dreg:$0x2] =	wrdreg s3  }
0xa9: {  	[dreg:$0x3] =	wrdreg s5  }
0xaa: {  	[dreg:$0x4] =	wrdreg $0xC0  }
0xab: {  	_ =	task [dreg:s7], $0x5FFFF  }
0xac: {  	[dreg:$0x1] =	wrdreg $0xFFFFFFFF  }
0xad: {  	[dreg:$0x0] =	wrdreg $0x60  }
0xae: {  	[dreg:$0x2] =	wrdreg s24  }
0xaf: {  	[dreg:$0x3] =	wrdreg s2  }
0xb0: {  	[dreg:$0x4] =	wrdreg $0x41000  }
0xb1: {  	[dreg:$0x5] =	wrdreg $0x9  }
0xb2: {  	_ =	task.clear_ibuf [dreg:s7], $0x6FFFF;
	_ =	strace $0x90000049  }
0xb3: {  	s29 =	simm.s32 $0x9;
	_ =	strace $0x8000004B  }
0xb4: {  	_ =	swait.ge [sflag:s29], $0x1  }
0xb5: {  	[sflag:s29] =	ssyncadd.s32 $0xFFFFFFFF  }
0xb6: {  	_ =	strace $0x9000004B  }
0xb7: {  	_ =	sfence  }
0xb8: {  	s30 =	sld [smem:$0x0];
	_ =	sdelay $0x2  }
0xb9: {  	s31 =	sshll.u32 s1, $0xD;
	s1 =	sshrl.u32 s1, $0x2  }
0xba: {  	s3 =	sand.u32 $0x4000, s31;
	s1 =	sadd.s32 s1, s30  }
0xbb: {  	s0 =	sor.u32 s3, s0;
	s1 =	sshll.u32 s1, $0x11  }
0xbc: {  	s0 =	sor.u32 s1, s0  }
0xbd: {  	s0 =	sadd.s32 $0x8F2B, s0  }
0xbe: {  	[sflag:s0] =	ssyncadd.remote.s32 $0x1  }
0xbf: {  	_ =	sfence.sel $0xFFFF  }
0xc0: {  	[dreg:$0x0] =	wrdreg $0xFFFFFFFF;
	(pc) =	sbr.abs _section_cstart, $3  }
0xc1: {  	[dreg:$0x1] =	wrdreg $0xFFFFFFFF  }
0xc2: {  	_ =	task.clear_ibuf [dreg:s7], $0x2FFFF;
	_ =	strace $0x9FFFFFFF  }
0xc3: {  	(tm) =	ssettm $0x7FFFFFFF  }
tec
execute0_lowered:
.L_overlay_start_1:
0x0: {  	(tag) =	ssettag $0x1  }
0x1: {  	s6 =	rddreg [dreg:$0x0]  }
0x2: {  	s2 =	rddreg [dreg:$0x1]  }
0x3: {  	s3 =	rddreg [dreg:$0x2]  }
0x4: {  	s0 =	rddreg [dreg:$0x3]  }
0x5: {  	s1 =	stileid.u32;
	s4 =	simm.s32 $0x0;
	s5 =	srdreg.scid  }
0x6: {  	s14 =	simm.s32 $0x80;
	s15 =	simm.s32 $0x100;
	s7 =	smul.u32 $0x3B, s1  }
0x7: {  	s16 =	simm.s32 $0x1;
	s8 =	sand.u32 $0x1, s5;
	s5 =	smul.u32 $0x63, s1  }
0x8: {  	s17 =	simm.s32 $0x0;
	[smem:$0x7FF] =	sst s4;
	s10 =	smul.u32 $0x13C00, s1  }
0x9: {  	s29 =	smul.u32 $0x4F000, s1;
	s31 =	sshll.u32 s1, $0x6;
	p0 =	seq.s32 s8, $0x0  }
0xa: {  	s9 =	smul.u32 $0x13C000, s8;
	_ =	strace $0x8000004A;
	s8 =	ssub.s32 $0x2, s8  }
0xb: {  	s7 =	sadd.s32 $0x630, s7;
	s28 =	sshrl.u32 s8, $0x1;
	s30 =	sshrl.u32 s29, $0x2  }
0xc: {  	s7 =	smov.u32 @p0 s5;
	s5 =	sadd.s32 $0x15000, s6;
	s26 =	sadd.s32 s10, s9  }
0xd: {  	s9 =	ssub.s32 s8, s28;
	s13 =	sadd.s32 s30, s3;
	s7 =	sshll.u32 s7, $0x4  }
0xe: {  	s9 =	smax.u32 s9, $0x1;
	s11 =	sadd.s32 s7, s6;
	s7 =	sshrl.u32 s26, $0x3  }
0xf: {  	s12 =	sadd.s32 s7, s6;
	s6 =	simm.s32 $0x63;
	s7 =	sor.u32 $0x1C02, s31  }
0x10: {  	s10 =	sadd.s32 $0x1400, s11;
	s11 =	sadd.s32 $0xB200, s11;
	s6 =	simm.s32 @!p0 $0x3B  }
0x11: {  	s8 =	sadd.s32 $0x14D800, s12;
	s12 =	sshrl.u32 s13, $0x3;
	s13 =	simm.s32 $0x2  }
.LBB2_1:
0x12: {  	[spmem:s12], [sflag:s7] =	dma.local [hbm:s2], $0x2780  }
0x13: {  	_ =	swait.ge [sflag:s13], $0x2780  }
0x14: {  	[sflag:s13] =	ssyncset.done $0x0  }
0x15: {  	[sflag:s13] =	ssyncadd.s32 $0xFFFFD880  }
0x16: {  	[bflag:$0x0] =	sbarrier.arrive $0xFFFF  }
0x17: {  	[tilespmem:s4], [sflag:$0x2] =	stream.linear.gather [hbm4b:s11+s4], $0x80, $0x38;
	[tilespmem:$0x17D00] =	vst v63  }
0x18: {  	_ =	swait.ge [sflag:s13], $0x80  }
0x19: {  	[sflag:s13] =	ssyncset.done $0x0  }
0x1a: {  	[sflag:s13] =	ssyncadd.s32 $0xFFFFFF80  }
0x1b: {  	[tilespmem:s14], [sflag:$0x2] =	stream.linear.gather [hbm4b:s10+s4], $0x80, $0x38;
	[tilespmem:$0x17D00] =	vst v63  }
0x1c: {  	_ =	swait.ge [sflag:s13], $0x80  }
0x1d: {  	[sflag:s13] =	ssyncset.done $0x0  }
0x1e: {  	[sflag:s13] =	ssyncadd.s32 $0xFFFFFF80  }
0x1f: {  	[tilespmem:s15], [sflag:$0x1] =	stream.indirect.gather [hbm4b:s5+s14], $0x80, s4, s14, $0xb8;
	[tilespmem:$0x17D00] =	vst v63  }
0x20: {  	p0 =	sne.s32 s6, $0x1;
	_ =	swait.ge [sflag:s16], $0x4000  }
.Ltmp0:
0x21: {  	[sflag:s16] =	ssyncset.done $0x0;
	(pc) =	sbr.rel @!p0 .LBB2_3-.Ltmp0, $4  }
0x22: {  	[sflag:s16] =	ssyncadd.s32 $0xFFFFC000  }
0x23: {  	[spmem:s3] =	stream.indirect.scatter.add.f32 [tilespmem:s15], [sflag:$0x2], $0x80, s14, s14, $0xb8;
	[tilespmem:$0x17D00] =	vst v63  }
0x24: {  	s18 =	sadd.s32 $0xFFFFFFFF, s6;
	_ =	swait.ge [sflag:s13], $0x4000  }
0x25: {  	s19 =	smov.u32 s10;
	s20 =	smov.u32 s11;
	[sflag:s13] =	ssyncset.done $0x0  }
.LBB2_2:
0x26: {  	[sflag:s13] =	ssyncadd.s32 $0xFFFFC000;
	s19 =	sadd.s32 $0x10, s19;
	s20 =	sadd.s32 $0x10, s20  }
0x27: {  	[tilespmem:s4], [sflag:$0x2] =	stream.linear.gather [hbm4b:s20+s4], $0x80, $0x38;
	[tilespmem:$0x17D00] =	vst v63  }
0x28: {  	p0 =	sne.s32 s18, $0x1;
	s18 =	sadd.s32 $0xFFFFFFFF, s18;
	_ =	swait.ge [sflag:s13], $0x80  }
0x29: {  	[sflag:s13] =	ssyncset.done $0x0  }
0x2a: {  	[sflag:s13] =	ssyncadd.s32 $0xFFFFFF80  }
0x2b: {  	[tilespmem:s14], [sflag:$0x2] =	stream.linear.gather [hbm4b:s19+s4], $0x80, $0x38;
	[tilespmem:$0x17D00] =	vst v63  }
0x2c: {  	_ =	swait.ge [sflag:s13], $0x80  }
0x2d: {  	[sflag:s13] =	ssyncset.done $0x0  }
0x2e: {  	[sflag:s13] =	ssyncadd.s32 $0xFFFFFF80  }
0x2f: {  	[tilespmem:s15], [sflag:$0x1] =	stream.indirect.gather [hbm4b:s5+s14], $0x80, s4, s14, $0xb8;
	[tilespmem:$0x17D00] =	vst v63  }
0x30: {  	_ =	swait.ge [sflag:s16], $0x4000  }
.Ltmp1:
0x31: {  	[sflag:s16] =	ssyncset.done $0x0;
	(pc) =	sbr.rel @p0 .LBB2_2-.Ltmp1, $4  }
0x32: {  	[sflag:s16] =	ssyncadd.s32 $0xFFFFC000  }
0x33: {  	[spmem:s3] =	stream.indirect.scatter.add.f32 [tilespmem:s15], [sflag:$0x2], $0x80, s14, s14, $0xb8;
	[tilespmem:$0x17D00] =	vst v63  }
0x34: {  	_ =	swait.ge [sflag:s13], $0x4000  }
0x35: {  	[sflag:s13] =	ssyncset.done $0x0  }
.LBB2_3:
0x36: {  	s17 =	sadd.s32 $0x1, s17  }
0x37: {  	[sflag:s13] =	ssyncadd.s32 $0xFFFFC000;
	p0 =	sne.s32 s17, s9  }
.Ltmp2:
0x38: {  	[bflag:$0x0] =	sbarrier.arrive $0xFFFF;
	(pc) =	sbr.rel @p0 .LBB2_1-.Ltmp2, $4  }
0x39: {  	[hbm:s8], [sflag:s7] =	dma.local [spmem:s12], $0x2780  }
0x3a: {  	_ =	swait.ge [sflag:s13], $0x2780  }
0x3b: {  	[sflag:s13] =	ssyncset.done $0x0  }
0x3c: {  	[sflag:s13] =	ssyncadd.s32 $0xFFFFD880  }
0x3d: {  	_ =	sfence.sel $0x180000  }
0x3e: {  	[bflag:$0x0] =	sbarrier.arrive $0xFFFF  }
0x3f: {  	p0 =	sne.s32 s1, $0x0;
	_ =	strace $0x9000004A  }
0x40: {  	s0 =	sadd.s32 @!p0 $0x100000, s0;
	[bflag:$0x2] =	sbarrier.arrive $0xFFFF  }
0x41: {  	[sflag:s0] =	ssyncadd.tile.s32 @!p0 $0x1;
	_ =	shalt  }
.Lfunc_end2:
_tile_overlayer_lowered:
.L_overlay_start_2:
0x42: {  	(tag) =	ssettag $0x2  }
0x43: {  	s0 =	rddreg [dreg:$0x0];
	s2 =	stileid.u32  }
0x44: {  	s1 =	rddreg [dreg:$0x1];
	p0 =	sne.s32 s2, $0x0  }
0x45: {  	s3 =	rddreg [dreg:$0x2];
	[bflag:$0x3] =	sbarrier.arrive $0xFFFF;
	s2 =	simm.s32 @!p0 $0x1C02  }
0x46: {  	[timem:s3], [sflag:s2] =	dma.local @!p0 [hbm:s0], s1  }
0x47: {  	s0 =	simm.s32 @!p0 $0x2  }
0x48: {  	_ =	swait.ge @!p0 [sflag:s0], s1  }
0x49: {  	s1 =	ssub.s32 @!p0 $0x0, s1;
	[sflag:s0] =	ssyncset.done @!p0 $0x0  }
0x4a: {  	[sflag:s0] =	ssyncadd.s32 @!p0 s1  }
0x4b: {  	[bflag:$0x3] =	sbarrier.arrive $0xFFFF  }
0x4c: {  	_ =	shalt  }

</sc_bundles>
